<compile_context>
chip_gen: v7x
topology: tpu7x:2x2x1
jax: 0.10.2.dev20260603
libtpu: 0.0.44.dev20260713+nightly
codegen_flags: <defaults>
</compile_context>

<pallas_src>
import functools

import jax
import jax.numpy as jnp
from jax import lax
from jax.experimental import pallas as pl
from jax.experimental.pallas import tpu as pltpu
from jax.experimental.pallas import tpu_sc as plsc


def _make_sc_copy(m, n, l, d, dtype):
    mesh = plsc.VectorSubcoreMesh(core_axis_name="c", subcore_axis_name="s")
    nw = mesh.num_cores * mesh.num_subcores
    assert m == nw
    offset = l // 2 + l % 2
    lo = (offset - m + 1) - (offset - m + 1) % mesh.num_subcores
    nstage = l - lo
    piece = (nstage * d) // mesh.num_subcores
    nchunks = 16
    wchunk = (n * d) // nchunks
    ndma = 11

    @functools.partial(
        pl.kernel,
        out_type=jax.ShapeDtypeStruct((m * n * d,), dtype),
        mesh=mesh,
        scratch_types=[
            pltpu.VMEM_SHARED((nstage * d,), dtype),
            pltpu.VMEM((wchunk,), dtype),
            pltpu.VMEM((wchunk,), dtype),
            pltpu.SemaphoreType.DMA,
            pltpu.SemaphoreType.DMA,
            pltpu.SemaphoreType.DMA,
            pltpu.SemaphoreType.DMA,
            pltpu.SemaphoreType.DMA,
        ],
    )
    def sc_copy(table, out, shared, tb0, tb1, ssem, wsem, lsem, os0, os1):
        sid = lax.axis_index("s")
        wid = sid * mesh.num_cores + lax.axis_index("c")
        pltpu.async_copy(
            table.at[pl.ds(lo * d + sid * piece, piece)],
            shared.at[pl.ds(sid * piece, piece)],
            ssem,
        ).wait()
        plsc.subcore_barrier()
        rbase = (offset - wid - lo) * d
        wbase = wid * (n * d)
        copies = []
        for c in range(ndma):
            cp = pltpu.make_async_copy(
                shared.at[pl.ds(rbase + c * wchunk, wchunk)],
                out.at[pl.ds(wbase + c * wchunk, wchunk)],
                wsem,
            )
            cp.start()
            copies.append(cp)
        tbufs = (tb0, tb1)
        osems = (os0, os1)
        owrites = [None, None]
        for j, c in enumerate(range(ndma, nchunks)):
            b = j & 1
            if owrites[b] is not None:
                owrites[b].wait()
            pltpu.async_copy(
                shared.at[pl.ds(rbase + c * wchunk, wchunk)], tbufs[b], lsem
            ).wait()
            wr = pltpu.make_async_copy(
                tbufs[b], out.at[pl.ds(wbase + c * wchunk, wchunk)], osems[b]
            )
            wr.start()
            owrites[b] = wr
        for wr in owrites:
            if wr is not None:
                wr.wait()
        for cp in copies:
            cp.wait()

    return sc_copy


def kernel(q, k, embed_weight):
    m = q.shape[0]
    n = k.shape[0]
    l, d = embed_weight.shape
    flat = _make_sc_copy(m, n, l, d, embed_weight.dtype)(embed_weight.reshape(-1))
    return flat.reshape(m, n, d)

# --- scband reference (transcript-rebuilt; emitter-appended) ---
"""Pipeline reference for scband-relative-positional-embedding-32031866094084 (READ-ONLY COPY).

The authoritative reference and input builder live on the scoring server;
editing this copy changes nothing except your own understanding.
"""

import jax, jax.numpy as jnp
import numpy as np

MAX_LEN = 8192
N_MODEL = 128

def _build_table():
    pos = np.concatenate([np.arange(-(MAX_LEN // 2), 0, dtype=np.float32),
                          np.arange(0, MAX_LEN // 2, dtype=np.float32)])
    inv = 10000.0 ** ((np.arange(N_MODEL) // 2).astype(np.float32) * 2.0 / N_MODEL)
    w = pos[:, None] / inv[None, :]
    w[:, 0::2] = np.sin(w[:, 0::2])
    w[:, 1::2] = np.cos(w[:, 1::2])
    return jnp.asarray(w, dtype=jnp.float32)

def setup_inputs(seed: int = 0) -> dict:
    key = jax.random.key(seed)
    kq, kk = jax.random.split(key)
    q = jax.random.normal(kq, (32, 128), dtype=jnp.float32)
    k = jax.random.normal(kk, (4096, 128), dtype=jnp.float32)
    embed_weight = _build_table()
    return {"q": q, "k": k, "embed_weight": embed_weight}

def reference(q, k, embed_weight):
    max_len = embed_weight.shape[0]
    offset = max_len // 2 + max_len % 2
    idx = (jnp.arange(k.shape[0], dtype=jnp.int64 if jax.config.jax_enable_x64 else jnp.int32)
           - jnp.arange(q.shape[0], dtype=jnp.int64 if jax.config.jax_enable_x64 else jnp.int32)[:, None]) + offset
    return jnp.take(embed_weight, idx, axis=0)

if __name__ == "__main__":
    import jax
    _d = setup_inputs()
    print(jax.jit(kernel)(*tuple(_d.values())))

</pallas_src>

<mosaic_0001>
#map = affine_map<(d0, d1) -> (0)>
module attributes {stable_mosaic.version = 14 : i64} {
  func.func @sc_copy(%arg0: i32, %arg1: i32, %arg2: memref<1048576xf32, #tpu.memory_space<hbm>>, %arg3: memref<16777216xf32, #tpu.memory_space<hbm>>, %arg4: memref<528384xf32, #tpu.memory_space<vmem_shared>>, %arg5: memref<32768xf32, #tpu.memory_space<vmem>>, %arg6: memref<32768xf32, #tpu.memory_space<vmem>>, %arg7: memref<!tpu.dma_semaphore, #tpu.memory_space<semaphore_mem>>, %arg8: memref<!tpu.dma_semaphore, #tpu.memory_space<semaphore_mem>>, %arg9: memref<!tpu.dma_semaphore, #tpu.memory_space<semaphore_mem>>, %arg10: memref<!tpu.dma_semaphore, #tpu.memory_space<semaphore_mem>>, %arg11: memref<!tpu.dma_semaphore, #tpu.memory_space<semaphore_mem>>) attributes {dimension_semantics = [#tpu.dimension_semantics<core_parallel>, #tpu.dimension_semantics<subcore_parallel>], iteration_bounds = array<i64: 2, 16>, scalar_prefetch = 0 : i64, scratch_operands = 8 : i64, tpu.core_type = #tpu.core_type<sc_vector_subcore>, window_params = [{transform_indices = #map}, {transform_indices = #map}]} {
    %mul3A = arith.constant 2 : i32
    %mul3A_0 = arith.muli %arg1, %mul3A : i32
    %add3A = arith.addi %mul3A_0, %arg0 : i32
    %mul3A_1 = arith.constant 33024 : i32
    %mul3A_2 = arith.muli %arg1, %mul3A_1 : i32
    %add3A_3 = arith.constant 520192 : i32
    %add3A_4 = arith.addi %add3A_3, %mul3A_2 : i32
    %mul3A_5 = arith.constant 33024 : i32
    %mul3A_6 = arith.muli %arg1, %mul3A_5 : i32
    %dma_start3A = tpu.memref_slice %arg4[%mul3A_6] : memref<528384xf32, #tpu.memory_space<vmem_shared>> -> memref<33024xf32, #tpu.memory_space<vmem_shared>>
    %dma_start3A_7 = tpu.memref_slice %arg2[%add3A_4] : memref<1048576xf32, #tpu.memory_space<hbm>> -> memref<33024xf32, #tpu.memory_space<hbm>>
    tpu.enqueue_dma source(%dma_start3A_7 : memref<33024xf32, #tpu.memory_space<hbm>>) target(%dma_start3A : memref<33024xf32, #tpu.memory_space<vmem_shared>>) target_semaphore(%arg7 : memref<!tpu.dma_semaphore, #tpu.memory_space<semaphore_mem>>)
    %dma_wait3A = tpu.memref_slice %arg4[%mul3A_6] : memref<528384xf32, #tpu.memory_space<vmem_shared>> -> memref<33024xf32, #tpu.memory_space<vmem_shared>>
    %dma_wait3A_8 = tpu.memref_slice %arg2[%add3A_4] : memref<1048576xf32, #tpu.memory_space<hbm>> -> memref<33024xf32, #tpu.memory_space<hbm>>
    tpu.wait_dma2 semaphore(%arg7 : memref<!tpu.dma_semaphore, #tpu.memory_space<semaphore_mem>>) src(%dma_wait3A_8 : memref<33024xf32, #tpu.memory_space<hbm>>) dst(%dma_wait3A : memref<33024xf32, #tpu.memory_space<vmem_shared>>)
    %barrier3A = arith.constant 0 : index
    tpu.barrier barrier_id(%barrier3A)
    %sub3A = arith.constant 4096 : i32
    %sub3A_9 = arith.subi %sub3A, %add3A : i32
    %sub3A_10 = arith.constant 4064 : i32
    %sub3A_11 = arith.subi %sub3A_9, %sub3A_10 : i32
    %mul3A_12 = arith.constant 128 : i32
    %mul3A_13 = arith.muli %sub3A_11, %mul3A_12 : i32
    %mul3A_14 = arith.constant 524288 : i32
    %mul3A_15 = arith.muli %add3A, %mul3A_14 : i32
    %add3A_16 = arith.constant 0 : i32
    %add3A_17 = arith.addi %mul3A_13, %add3A_16 : i32
    %add3A_18 = arith.constant 0 : i32
    %add3A_19 = arith.addi %mul3A_15, %add3A_18 : i32
    %dma_start3A_20 = tpu.memref_slice %arg3[%add3A_19] : memref<16777216xf32, #tpu.memory_space<hbm>> -> memref<32768xf32, #tpu.memory_space<hbm>>
    %dma_start3A_21 = tpu.memref_slice %arg4[%add3A_17] : memref<528384xf32, #tpu.memory_space<vmem_shared>> -> memref<32768xf32, #tpu.memory_space<vmem_shared>>
    tpu.enqueue_dma source(%dma_start3A_21 : memref<32768xf32, #tpu.memory_space<vmem_shared>>) target(%dma_start3A_20 : memref<32768xf32, #tpu.memory_space<hbm>>) target_semaphore(%arg8 : memref<!tpu.dma_semaphore, #tpu.memory_space<semaphore_mem>>)
    %add3A_22 = arith.constant 32768 : i32
    %add3A_23 = arith.addi %mul3A_13, %add3A_22 : i32
    %add3A_24 = arith.constant 32768 : i32
    %add3A_25 = arith.addi %mul3A_15, %add3A_24 : i32
    %dma_start3A_26 = tpu.memref_slice %arg3[%add3A_25] : memref<16777216xf32, #tpu.memory_space<hbm>> -> memref<32768xf32, #tpu.memory_space<hbm>>
    %dma_start3A_27 = tpu.memref_slice %arg4[%add3A_23] : memref<528384xf32, #tpu.memory_space<vmem_shared>> -> memref<32768xf32, #tpu.memory_space<vmem_shared>>
    tpu.enqueue_dma source(%dma_start3A_27 : memref<32768xf32, #tpu.memory_space<vmem_shared>>) target(%dma_start3A_26 : memref<32768xf32, #tpu.memory_space<hbm>>) target_semaphore(%arg8 : memref<!tpu.dma_semaphore, #tpu.memory_space<semaphore_mem>>)
    %add3A_28 = arith.constant 65536 : i32
    %add3A_29 = arith.addi %mul3A_13, %add3A_28 : i32
    %add3A_30 = arith.constant 65536 : i32
    %add3A_31 = arith.addi %mul3A_15, %add3A_30 : i32
    %dma_start3A_32 = tpu.memref_slice %arg3[%add3A_31] : memref<16777216xf32, #tpu.memory_space<hbm>> -> memref<32768xf32, #tpu.memory_space<hbm>>
    %dma_start3A_33 = tpu.memref_slice %arg4[%add3A_29] : memref<528384xf32, #tpu.memory_space<vmem_shared>> -> memref<32768xf32, #tpu.memory_space<vmem_shared>>
    tpu.enqueue_dma source(%dma_start3A_33 : memref<32768xf32, #tpu.memory_space<vmem_shared>>) target(%dma_start3A_32 : memref<32768xf32, #tpu.memory_space<hbm>>) target_semaphore(%arg8 : memref<!tpu.dma_semaphore, #tpu.memory_space<semaphore_mem>>)
    %add3A_34 = arith.constant 98304 : i32
    %add3A_35 = arith.addi %mul3A_13, %add3A_34 : i32
    %add3A_36 = arith.constant 98304 : i32
    %add3A_37 = arith.addi %mul3A_15, %add3A_36 : i32
    %dma_start3A_38 = tpu.memref_slice %arg3[%add3A_37] : memref<16777216xf32, #tpu.memory_space<hbm>> -> memref<32768xf32, #tpu.memory_space<hbm>>
    %dma_start3A_39 = tpu.memref_slice %arg4[%add3A_35] : memref<528384xf32, #tpu.memory_space<vmem_shared>> -> memref<32768xf32, #tpu.memory_space<vmem_shared>>
    tpu.enqueue_dma source(%dma_start3A_39 : memref<32768xf32, #tpu.memory_space<vmem_shared>>) target(%dma_start3A_38 : memref<32768xf32, #tpu.memory_space<hbm>>) target_semaphore(%arg8 : memref<!tpu.dma_semaphore, #tpu.memory_space<semaphore_mem>>)
    %add3A_40 = arith.constant 131072 : i32
    %add3A_41 = arith.addi %mul3A_13, %add3A_40 : i32
    %add3A_42 = arith.constant 131072 : i32
    %add3A_43 = arith.addi %mul3A_15, %add3A_42 : i32
    %dma_start3A_44 = tpu.memref_slice %arg3[%add3A_43] : memref<16777216xf32, #tpu.memory_space<hbm>> -> memref<32768xf32, #tpu.memory_space<hbm>>
    %dma_start3A_45 = tpu.memref_slice %arg4[%add3A_41] : memref<528384xf32, #tpu.memory_space<vmem_shared>> -> memref<32768xf32, #tpu.memory_space<vmem_shared>>
    tpu.enqueue_dma source(%dma_start3A_45 : memref<32768xf32, #tpu.memory_space<vmem_shared>>) target(%dma_start3A_44 : memref<32768xf32, #tpu.memory_space<hbm>>) target_semaphore(%arg8 : memref<!tpu.dma_semaphore, #tpu.memory_space<semaphore_mem>>)
    %add3A_46 = arith.constant 163840 : i32
    %add3A_47 = arith.addi %mul3A_13, %add3A_46 : i32
    %add3A_48 = arith.constant 163840 : i32
    %add3A_49 = arith.addi %mul3A_15, %add3A_48 : i32
    %dma_start3A_50 = tpu.memref_slice %arg3[%add3A_49] : memref<16777216xf32, #tpu.memory_space<hbm>> -> memref<32768xf32, #tpu.memory_space<hbm>>
    %dma_start3A_51 = tpu.memref_slice %arg4[%add3A_47] : memref<528384xf32, #tpu.memory_space<vmem_shared>> -> memref<32768xf32, #tpu.memory_space<vmem_shared>>
    tpu.enqueue_dma source(%dma_start3A_51 : memref<32768xf32, #tpu.memory_space<vmem_shared>>) target(%dma_start3A_50 : memref<32768xf32, #tpu.memory_space<hbm>>) target_semaphore(%arg8 : memref<!tpu.dma_semaphore, #tpu.memory_space<semaphore_mem>>)
    %add3A_52 = arith.constant 196608 : i32
    %add3A_53 = arith.addi %mul3A_13, %add3A_52 : i32
    %add3A_54 = arith.constant 196608 : i32
    %add3A_55 = arith.addi %mul3A_15, %add3A_54 : i32
    %dma_start3A_56 = tpu.memref_slice %arg3[%add3A_55] : memref<16777216xf32, #tpu.memory_space<hbm>> -> memref<32768xf32, #tpu.memory_space<hbm>>
    %dma_start3A_57 = tpu.memref_slice %arg4[%add3A_53] : memref<528384xf32, #tpu.memory_space<vmem_shared>> -> memref<32768xf32, #tpu.memory_space<vmem_shared>>
    tpu.enqueue_dma source(%dma_start3A_57 : memref<32768xf32, #tpu.memory_space<vmem_shared>>) target(%dma_start3A_56 : memref<32768xf32, #tpu.memory_space<hbm>>) target_semaphore(%arg8 : memref<!tpu.dma_semaphore, #tpu.memory_space<semaphore_mem>>)
    %add3A_58 = arith.constant 229376 : i32
    %add3A_59 = arith.addi %mul3A_13, %add3A_58 : i32
    %add3A_60 = arith.constant 229376 : i32
    %add3A_61 = arith.addi %mul3A_15, %add3A_60 : i32
    %dma_start3A_62 = tpu.memref_slice %arg3[%add3A_61] : memref<16777216xf32, #tpu.memory_space<hbm>> -> memref<32768xf32, #tpu.memory_space<hbm>>
    %dma_start3A_63 = tpu.memref_slice %arg4[%add3A_59] : memref<528384xf32, #tpu.memory_space<vmem_shared>> -> memref<32768xf32, #tpu.memory_space<vmem_shared>>
    tpu.enqueue_dma source(%dma_start3A_63 : memref<32768xf32, #tpu.memory_space<vmem_shared>>) target(%dma_start3A_62 : memref<32768xf32, #tpu.memory_space<hbm>>) target_semaphore(%arg8 : memref<!tpu.dma_semaphore, #tpu.memory_space<semaphore_mem>>)
    %add3A_64 = arith.constant 262144 : i32
    %add3A_65 = arith.addi %mul3A_13, %add3A_64 : i32
    %add3A_66 = arith.constant 262144 : i32
    %add3A_67 = arith.addi %mul3A_15, %add3A_66 : i32
    %dma_start3A_68 = tpu.memref_slice %arg3[%add3A_67] : memref<16777216xf32, #tpu.memory_space<hbm>> -> memref<32768xf32, #tpu.memory_space<hbm>>
    %dma_start3A_69 = tpu.memref_slice %arg4[%add3A_65] : memref<528384xf32, #tpu.memory_space<vmem_shared>> -> memref<32768xf32, #tpu.memory_space<vmem_shared>>
    tpu.enqueue_dma source(%dma_start3A_69 : memref<32768xf32, #tpu.memory_space<vmem_shared>>) target(%dma_start3A_68 : memref<32768xf32, #tpu.memory_space<hbm>>) target_semaphore(%arg8 : memref<!tpu.dma_semaphore, #tpu.memory_space<semaphore_mem>>)
    %add3A_70 = arith.constant 294912 : i32
    %add3A_71 = arith.addi %mul3A_13, %add3A_70 : i32
    %add3A_72 = arith.constant 294912 : i32
    %add3A_73 = arith.addi %mul3A_15, %add3A_72 : i32
    %dma_start3A_74 = tpu.memref_slice %arg3[%add3A_73] : memref<16777216xf32, #tpu.memory_space<hbm>> -> memref<32768xf32, #tpu.memory_space<hbm>>
    %dma_start3A_75 = tpu.memref_slice %arg4[%add3A_71] : memref<528384xf32, #tpu.memory_space<vmem_shared>> -> memref<32768xf32, #tpu.memory_space<vmem_shared>>
    tpu.enqueue_dma source(%dma_start3A_75 : memref<32768xf32, #tpu.memory_space<vmem_shared>>) target(%dma_start3A_74 : memref<32768xf32, #tpu.memory_space<hbm>>) target_semaphore(%arg8 : memref<!tpu.dma_semaphore, #tpu.memory_space<semaphore_mem>>)
    %add3A_76 = arith.constant 327680 : i32
    %add3A_77 = arith.addi %mul3A_13, %add3A_76 : i32
    %add3A_78 = arith.constant 327680 : i32
    %add3A_79 = arith.addi %mul3A_15, %add3A_78 : i32
    %dma_start3A_80 = tpu.memref_slice %arg3[%add3A_79] : memref<16777216xf32, #tpu.memory_space<hbm>> -> memref<32768xf32, #tpu.memory_space<hbm>>
    %dma_start3A_81 = tpu.memref_slice %arg4[%add3A_77] : memref<528384xf32, #tpu.memory_space<vmem_shared>> -> memref<32768xf32, #tpu.memory_space<vmem_shared>>
    tpu.enqueue_dma source(%dma_start3A_81 : memref<32768xf32, #tpu.memory_space<vmem_shared>>) target(%dma_start3A_80 : memref<32768xf32, #tpu.memory_space<hbm>>) target_semaphore(%arg8 : memref<!tpu.dma_semaphore, #tpu.memory_space<semaphore_mem>>)
    %add3A_82 = arith.constant 360448 : i32
    %add3A_83 = arith.addi %mul3A_13, %add3A_82 : i32
    %dma_start3A_84 = tpu.memref_slice %arg4[%add3A_83] : memref<528384xf32, #tpu.memory_space<vmem_shared>> -> memref<32768xf32, #tpu.memory_space<vmem_shared>>
    %dma_start3A_85 = tpu.memref_slice %arg4[%add3A_83] : memref<528384xf32, #tpu.memory_space<vmem_shared>> -> memref<32768xf32, #tpu.memory_space<vmem_shared>>
    tpu.enqueue_dma source(%dma_start3A_85 : memref<32768xf32, #tpu.memory_space<vmem_shared>>) target(%arg5 : memref<32768xf32, #tpu.memory_space<vmem>>) target_semaphore(%arg9 : memref<!tpu.dma_semaphore, #tpu.memory_space<semaphore_mem>>)
    %dma_wait3A_86 = tpu.memref_slice %arg4[%add3A_83] : memref<528384xf32, #tpu.memory_space<vmem_shared>> -> memref<32768xf32, #tpu.memory_space<vmem_shared>>
    %dma_wait3A_87 = tpu.memref_slice %arg4[%add3A_83] : memref<528384xf32, #tpu.memory_space<vmem_shared>> -> memref<32768xf32, #tpu.memory_space<vmem_shared>>
    tpu.wait_dma2 semaphore(%arg9 : memref<!tpu.dma_semaphore, #tpu.memory_space<semaphore_mem>>) src(%dma_wait3A_87 : memref<32768xf32, #tpu.memory_space<vmem_shared>>) dst(%arg5 : memref<32768xf32, #tpu.memory_space<vmem>>)
    %add3A_88 = arith.constant 360448 : i32
    %add3A_89 = arith.addi %mul3A_15, %add3A_88 : i32
    %dma_start3A_90 = tpu.memref_slice %arg3[%add3A_89] : memref<16777216xf32, #tpu.memory_space<hbm>> -> memref<32768xf32, #tpu.memory_space<hbm>>
    %dma_start3A_91 = tpu.memref_slice %arg3[%add3A_89] : memref<16777216xf32, #tpu.memory_space<hbm>> -> memref<32768xf32, #tpu.memory_space<hbm>>
    tpu.enqueue_dma source(%arg5 : memref<32768xf32, #tpu.memory_space<vmem>>) target(%dma_start3A_91 : memref<32768xf32, #tpu.memory_space<hbm>>) target_semaphore(%arg10 : memref<!tpu.dma_semaphore, #tpu.memory_space<semaphore_mem>>)
    %add3A_92 = arith.constant 393216 : i32
    %add3A_93 = arith.addi %mul3A_13, %add3A_92 : i32
    %dma_start3A_94 = tpu.memref_slice %arg4[%add3A_93] : memref<528384xf32, #tpu.memory_space<vmem_shared>> -> memref<32768xf32, #tpu.memory_space<vmem_shared>>
    %dma_start3A_95 = tpu.memref_slice %arg4[%add3A_93] : memref<528384xf32, #tpu.memory_space<vmem_shared>> -> memref<32768xf32, #tpu.memory_space<vmem_shared>>
    tpu.enqueue_dma source(%dma_start3A_95 : memref<32768xf32, #tpu.memory_space<vmem_shared>>) target(%arg6 : memref<32768xf32, #tpu.memory_space<vmem>>) target_semaphore(%arg9 : memref<!tpu.dma_semaphore, #tpu.memory_space<semaphore_mem>>)
    %dma_wait3A_96 = tpu.memref_slice %arg4[%add3A_93] : memref<528384xf32, #tpu.memory_space<vmem_shared>> -> memref<32768xf32, #tpu.memory_space<vmem_shared>>
    %dma_wait3A_97 = tpu.memref_slice %arg4[%add3A_93] : memref<528384xf32, #tpu.memory_space<vmem_shared>> -> memref<32768xf32, #tpu.memory_space<vmem_shared>>
    tpu.wait_dma2 semaphore(%arg9 : memref<!tpu.dma_semaphore, #tpu.memory_space<semaphore_mem>>) src(%dma_wait3A_97 : memref<32768xf32, #tpu.memory_space<vmem_shared>>) dst(%arg6 : memref<32768xf32, #tpu.memory_space<vmem>>)
    %add3A_98 = arith.constant 393216 : i32
    %add3A_99 = arith.addi %mul3A_15, %add3A_98 : i32
    %dma_start3A_100 = tpu.memref_slice %arg3[%add3A_99] : memref<16777216xf32, #tpu.memory_space<hbm>> -> memref<32768xf32, #tpu.memory_space<hbm>>
    %dma_start3A_101 = tpu.memref_slice %arg3[%add3A_99] : memref<16777216xf32, #tpu.memory_space<hbm>> -> memref<32768xf32, #tpu.memory_space<hbm>>
    tpu.enqueue_dma source(%arg6 : memref<32768xf32, #tpu.memory_space<vmem>>) target(%dma_start3A_101 : memref<32768xf32, #tpu.memory_space<hbm>>) target_semaphore(%arg11 : memref<!tpu.dma_semaphore, #tpu.memory_space<semaphore_mem>>)
    %dma_wait3A_102 = tpu.memref_slice %arg3[%add3A_89] : memref<16777216xf32, #tpu.memory_space<hbm>> -> memref<32768xf32, #tpu.memory_space<hbm>>
    %dma_wait3A_103 = tpu.memref_slice %arg3[%add3A_89] : memref<16777216xf32, #tpu.memory_space<hbm>> -> memref<32768xf32, #tpu.memory_space<hbm>>
    tpu.wait_dma2 semaphore(%arg10 : memref<!tpu.dma_semaphore, #tpu.memory_space<semaphore_mem>>) src(%arg5 : memref<32768xf32, #tpu.memory_space<vmem>>) dst(%dma_wait3A_103 : memref<32768xf32, #tpu.memory_space<hbm>>)
    %add3A_104 = arith.constant 425984 : i32
    %add3A_105 = arith.addi %mul3A_13, %add3A_104 : i32
    %dma_start3A_106 = tpu.memref_slice %arg4[%add3A_105] : memref<528384xf32, #tpu.memory_space<vmem_shared>> -> memref<32768xf32, #tpu.memory_space<vmem_shared>>
    %dma_start3A_107 = tpu.memref_slice %arg4[%add3A_105] : memref<528384xf32, #tpu.memory_space<vmem_shared>> -> memref<32768xf32, #tpu.memory_space<vmem_shared>>
    tpu.enqueue_dma source(%dma_start3A_107 : memref<32768xf32, #tpu.memory_space<vmem_shared>>) target(%arg5 : memref<32768xf32, #tpu.memory_space<vmem>>) target_semaphore(%arg9 : memref<!tpu.dma_semaphore, #tpu.memory_space<semaphore_mem>>)
    %dma_wait3A_108 = tpu.memref_slice %arg4[%add3A_105] : memref<528384xf32, #tpu.memory_space<vmem_shared>> -> memref<32768xf32, #tpu.memory_space<vmem_shared>>
    %dma_wait3A_109 = tpu.memref_slice %arg4[%add3A_105] : memref<528384xf32, #tpu.memory_space<vmem_shared>> -> memref<32768xf32, #tpu.memory_space<vmem_shared>>
    tpu.wait_dma2 semaphore(%arg9 : memref<!tpu.dma_semaphore, #tpu.memory_space<semaphore_mem>>) src(%dma_wait3A_109 : memref<32768xf32, #tpu.memory_space<vmem_shared>>) dst(%arg5 : memref<32768xf32, #tpu.memory_space<vmem>>)
    %add3A_110 = arith.constant 425984 : i32
    %add3A_111 = arith.addi %mul3A_15, %add3A_110 : i32
    %dma_start3A_112 = tpu.memref_slice %arg3[%add3A_111] : memref<16777216xf32, #tpu.memory_space<hbm>> -> memref<32768xf32, #tpu.memory_space<hbm>>
    %dma_start3A_113 = tpu.memref_slice %arg3[%add3A_111] : memref<16777216xf32, #tpu.memory_space<hbm>> -> memref<32768xf32, #tpu.memory_space<hbm>>
    tpu.enqueue_dma source(%arg5 : memref<32768xf32, #tpu.memory_space<vmem>>) target(%dma_start3A_113 : memref<32768xf32, #tpu.memory_space<hbm>>) target_semaphore(%arg10 : memref<!tpu.dma_semaphore, #tpu.memory_space<semaphore_mem>>)
    %dma_wait3A_114 = tpu.memref_slice %arg3[%add3A_99] : memref<16777216xf32, #tpu.memory_space<hbm>> -> memref<32768xf32, #tpu.memory_space<hbm>>
    %dma_wait3A_115 = tpu.memref_slice %arg3[%add3A_99] : memref<16777216xf32, #tpu.memory_space<hbm>> -> memref<32768xf32, #tpu.memory_space<hbm>>
    tpu.wait_dma2 semaphore(%arg11 : memref<!tpu.dma_semaphore, #tpu.memory_space<semaphore_mem>>) src(%arg6 : memref<32768xf32, #tpu.memory_space<vmem>>) dst(%dma_wait3A_115 : memref<32768xf32, #tpu.memory_space<hbm>>)
    %add3A_116 = arith.constant 458752 : i32
    %add3A_117 = arith.addi %mul3A_13, %add3A_116 : i32
    %dma_start3A_118 = tpu.memref_slice %arg4[%add3A_117] : memref<528384xf32, #tpu.memory_space<vmem_shared>> -> memref<32768xf32, #tpu.memory_space<vmem_shared>>
    %dma_start3A_119 = tpu.memref_slice %arg4[%add3A_117] : memref<528384xf32, #tpu.memory_space<vmem_shared>> -> memref<32768xf32, #tpu.memory_space<vmem_shared>>
    tpu.enqueue_dma source(%dma_start3A_119 : memref<32768xf32, #tpu.memory_space<vmem_shared>>) target(%arg6 : memref<32768xf32, #tpu.memory_space<vmem>>) target_semaphore(%arg9 : memref<!tpu.dma_semaphore, #tpu.memory_space<semaphore_mem>>)
    %dma_wait3A_120 = tpu.memref_slice %arg4[%add3A_117] : memref<528384xf32, #tpu.memory_space<vmem_shared>> -> memref<32768xf32, #tpu.memory_space<vmem_shared>>
    %dma_wait3A_121 = tpu.memref_slice %arg4[%add3A_117] : memref<528384xf32, #tpu.memory_space<vmem_shared>> -> memref<32768xf32, #tpu.memory_space<vmem_shared>>
    tpu.wait_dma2 semaphore(%arg9 : memref<!tpu.dma_semaphore, #tpu.memory_space<semaphore_mem>>) src(%dma_wait3A_121 : memref<32768xf32, #tpu.memory_space<vmem_shared>>) dst(%arg6 : memref<32768xf32, #tpu.memory_space<vmem>>)
    %add3A_122 = arith.constant 458752 : i32
    %add3A_123 = arith.addi %mul3A_15, %add3A_122 : i32
    %dma_start3A_124 = tpu.memref_slice %arg3[%add3A_123] : memref<16777216xf32, #tpu.memory_space<hbm>> -> memref<32768xf32, #tpu.memory_space<hbm>>
    %dma_start3A_125 = tpu.memref_slice %arg3[%add3A_123] : memref<16777216xf32, #tpu.memory_space<hbm>> -> memref<32768xf32, #tpu.memory_space<hbm>>
    tpu.enqueue_dma source(%arg6 : memref<32768xf32, #tpu.memory_space<vmem>>) target(%dma_start3A_125 : memref<32768xf32, #tpu.memory_space<hbm>>) target_semaphore(%arg11 : memref<!tpu.dma_semaphore, #tpu.memory_space<semaphore_mem>>)
    %dma_wait3A_126 = tpu.memref_slice %arg3[%add3A_111] : memref<16777216xf32, #tpu.memory_space<hbm>> -> memref<32768xf32, #tpu.memory_space<hbm>>
    %dma_wait3A_127 = tpu.memref_slice %arg3[%add3A_111] : memref<16777216xf32, #tpu.memory_space<hbm>> -> memref<32768xf32, #tpu.memory_space<hbm>>
    tpu.wait_dma2 semaphore(%arg10 : memref<!tpu.dma_semaphore, #tpu.memory_space<semaphore_mem>>) src(%arg5 : memref<32768xf32, #tpu.memory_space<vmem>>) dst(%dma_wait3A_127 : memref<32768xf32, #tpu.memory_space<hbm>>)
    %add3A_128 = arith.constant 491520 : i32
    %add3A_129 = arith.addi %mul3A_13, %add3A_128 : i32
    %dma_start3A_130 = tpu.memref_slice %arg4[%add3A_129] : memref<528384xf32, #tpu.memory_space<vmem_shared>> -> memref<32768xf32, #tpu.memory_space<vmem_shared>>
    %dma_start3A_131 = tpu.memref_slice %arg4[%add3A_129] : memref<528384xf32, #tpu.memory_space<vmem_shared>> -> memref<32768xf32, #tpu.memory_space<vmem_shared>>
    tpu.enqueue_dma source(%dma_start3A_131 : memref<32768xf32, #tpu.memory_space<vmem_shared>>) target(%arg5 : memref<32768xf32, #tpu.memory_space<vmem>>) target_semaphore(%arg9 : memref<!tpu.dma_semaphore, #tpu.memory_space<semaphore_mem>>)
    %dma_wait3A_132 = tpu.memref_slice %arg4[%add3A_129] : memref<528384xf32, #tpu.memory_space<vmem_shared>> -> memref<32768xf32, #tpu.memory_space<vmem_shared>>
    %dma_wait3A_133 = tpu.memref_slice %arg4[%add3A_129] : memref<528384xf32, #tpu.memory_space<vmem_shared>> -> memref<32768xf32, #tpu.memory_space<vmem_shared>>
    tpu.wait_dma2 semaphore(%arg9 : memref<!tpu.dma_semaphore, #tpu.memory_space<semaphore_mem>>) src(%dma_wait3A_133 : memref<32768xf32, #tpu.memory_space<vmem_shared>>) dst(%arg5 : memref<32768xf32, #tpu.memory_space<vmem>>)
    %add3A_134 = arith.constant 491520 : i32
    %add3A_135 = arith.addi %mul3A_15, %add3A_134 : i32
    %dma_start3A_136 = tpu.memref_slice %arg3[%add3A_135] : memref<16777216xf32, #tpu.memory_space<hbm>> -> memref<32768xf32, #tpu.memory_space<hbm>>
    %dma_start3A_137 = tpu.memref_slice %arg3[%add3A_135] : memref<16777216xf32, #tpu.memory_space<hbm>> -> memref<32768xf32, #tpu.memory_space<hbm>>
    tpu.enqueue_dma source(%arg5 : memref<32768xf32, #tpu.memory_space<vmem>>) target(%dma_start3A_137 : memref<32768xf32, #tpu.memory_space<hbm>>) target_semaphore(%arg10 : memref<!tpu.dma_semaphore, #tpu.memory_space<semaphore_mem>>)
    %dma_wait3A_138 = tpu.memref_slice %arg3[%add3A_135] : memref<16777216xf32, #tpu.memory_space<hbm>> -> memref<32768xf32, #tpu.memory_space<hbm>>
    %dma_wait3A_139 = tpu.memref_slice %arg3[%add3A_135] : memref<16777216xf32, #tpu.memory_space<hbm>> -> memref<32768xf32, #tpu.memory_space<hbm>>
    tpu.wait_dma2 semaphore(%arg10 : memref<!tpu.dma_semaphore, #tpu.memory_space<semaphore_mem>>) src(%arg5 : memref<32768xf32, #tpu.memory_space<vmem>>) dst(%dma_wait3A_139 : memref<32768xf32, #tpu.memory_space<hbm>>)
    %dma_wait3A_140 = tpu.memref_slice %arg3[%add3A_123] : memref<16777216xf32, #tpu.memory_space<hbm>> -> memref<32768xf32, #tpu.memory_space<hbm>>
    %dma_wait3A_141 = tpu.memref_slice %arg3[%add3A_123] : memref<16777216xf32, #tpu.memory_space<hbm>> -> memref<32768xf32, #tpu.memory_space<hbm>>
    tpu.wait_dma2 semaphore(%arg11 : memref<!tpu.dma_semaphore, #tpu.memory_space<semaphore_mem>>) src(%arg6 : memref<32768xf32, #tpu.memory_space<vmem>>) dst(%dma_wait3A_141 : memref<32768xf32, #tpu.memory_space<hbm>>)
    %dma_wait3A_142 = tpu.memref_slice %arg3[%add3A_19] : memref<16777216xf32, #tpu.memory_space<hbm>> -> memref<32768xf32, #tpu.memory_space<hbm>>
    %dma_wait3A_143 = tpu.memref_slice %arg4[%add3A_17] : memref<528384xf32, #tpu.memory_space<vmem_shared>> -> memref<32768xf32, #tpu.memory_space<vmem_shared>>
    tpu.wait_dma2 semaphore(%arg8 : memref<!tpu.dma_semaphore, #tpu.memory_space<semaphore_mem>>) src(%dma_wait3A_143 : memref<32768xf32, #tpu.memory_space<vmem_shared>>) dst(%dma_wait3A_142 : memref<32768xf32, #tpu.memory_space<hbm>>)
    %dma_wait3A_144 = tpu.memref_slice %arg3[%add3A_25] : memref<16777216xf32, #tpu.memory_space<hbm>> -> memref<32768xf32, #tpu.memory_space<hbm>>
    %dma_wait3A_145 = tpu.memref_slice %arg4[%add3A_23] : memref<528384xf32, #tpu.memory_space<vmem_shared>> -> memref<32768xf32, #tpu.memory_space<vmem_shared>>
    tpu.wait_dma2 semaphore(%arg8 : memref<!tpu.dma_semaphore, #tpu.memory_space<semaphore_mem>>) src(%dma_wait3A_145 : memref<32768xf32, #tpu.memory_space<vmem_shared>>) dst(%dma_wait3A_144 : memref<32768xf32, #tpu.memory_space<hbm>>)
    %dma_wait3A_146 = tpu.memref_slice %arg3[%add3A_31] : memref<16777216xf32, #tpu.memory_space<hbm>> -> memref<32768xf32, #tpu.memory_space<hbm>>
    %dma_wait3A_147 = tpu.memref_slice %arg4[%add3A_29] : memref<528384xf32, #tpu.memory_space<vmem_shared>> -> memref<32768xf32, #tpu.memory_space<vmem_shared>>
    tpu.wait_dma2 semaphore(%arg8 : memref<!tpu.dma_semaphore, #tpu.memory_space<semaphore_mem>>) src(%dma_wait3A_147 : memref<32768xf32, #tpu.memory_space<vmem_shared>>) dst(%dma_wait3A_146 : memref<32768xf32, #tpu.memory_space<hbm>>)
    %dma_wait3A_148 = tpu.memref_slice %arg3[%add3A_37] : memref<16777216xf32, #tpu.memory_space<hbm>> -> memref<32768xf32, #tpu.memory_space<hbm>>
    %dma_wait3A_149 = tpu.memref_slice %arg4[%add3A_35] : memref<528384xf32, #tpu.memory_space<vmem_shared>> -> memref<32768xf32, #tpu.memory_space<vmem_shared>>
    tpu.wait_dma2 semaphore(%arg8 : memref<!tpu.dma_semaphore, #tpu.memory_space<semaphore_mem>>) src(%dma_wait3A_149 : memref<32768xf32, #tpu.memory_space<vmem_shared>>) dst(%dma_wait3A_148 : memref<32768xf32, #tpu.memory_space<hbm>>)
    %dma_wait3A_150 = tpu.memref_slice %arg3[%add3A_43] : memref<16777216xf32, #tpu.memory_space<hbm>> -> memref<32768xf32, #tpu.memory_space<hbm>>
    %dma_wait3A_151 = tpu.memref_slice %arg4[%add3A_41] : memref<528384xf32, #tpu.memory_space<vmem_shared>> -> memref<32768xf32, #tpu.memory_space<vmem_shared>>
    tpu.wait_dma2 semaphore(%arg8 : memref<!tpu.dma_semaphore, #tpu.memory_space<semaphore_mem>>) src(%dma_wait3A_151 : memref<32768xf32, #tpu.memory_space<vmem_shared>>) dst(%dma_wait3A_150 : memref<32768xf32, #tpu.memory_space<hbm>>)
    %dma_wait3A_152 = tpu.memref_slice %arg3[%add3A_49] : memref<16777216xf32, #tpu.memory_space<hbm>> -> memref<32768xf32, #tpu.memory_space<hbm>>
    %dma_wait3A_153 = tpu.memref_slice %arg4[%add3A_47] : memref<528384xf32, #tpu.memory_space<vmem_shared>> -> memref<32768xf32, #tpu.memory_space<vmem_shared>>
    tpu.wait_dma2 semaphore(%arg8 : memref<!tpu.dma_semaphore, #tpu.memory_space<semaphore_mem>>) src(%dma_wait3A_153 : memref<32768xf32, #tpu.memory_space<vmem_shared>>) dst(%dma_wait3A_152 : memref<32768xf32, #tpu.memory_space<hbm>>)
    %dma_wait3A_154 = tpu.memref_slice %arg3[%add3A_55] : memref<16777216xf32, #tpu.memory_space<hbm>> -> memref<32768xf32, #tpu.memory_space<hbm>>
    %dma_wait3A_155 = tpu.memref_slice %arg4[%add3A_53] : memref<528384xf32, #tpu.memory_space<vmem_shared>> -> memref<32768xf32, #tpu.memory_space<vmem_shared>>
    tpu.wait_dma2 semaphore(%arg8 : memref<!tpu.dma_semaphore, #tpu.memory_space<semaphore_mem>>) src(%dma_wait3A_155 : memref<32768xf32, #tpu.memory_space<vmem_shared>>) dst(%dma_wait3A_154 : memref<32768xf32, #tpu.memory_space<hbm>>)
    %dma_wait3A_156 = tpu.memref_slice %arg3[%add3A_61] : memref<16777216xf32, #tpu.memory_space<hbm>> -> memref<32768xf32, #tpu.memory_space<hbm>>
    %dma_wait3A_157 = tpu.memref_slice %arg4[%add3A_59] : memref<528384xf32, #tpu.memory_space<vmem_shared>> -> memref<32768xf32, #tpu.memory_space<vmem_shared>>
    tpu.wait_dma2 semaphore(%arg8 : memref<!tpu.dma_semaphore, #tpu.memory_space<semaphore_mem>>) src(%dma_wait3A_157 : memref<32768xf32, #tpu.memory_space<vmem_shared>>) dst(%dma_wait3A_156 : memref<32768xf32, #tpu.memory_space<hbm>>)
    %dma_wait3A_158 = tpu.memref_slice %arg3[%add3A_67] : memref<16777216xf32, #tpu.memory_space<hbm>> -> memref<32768xf32, #tpu.memory_space<hbm>>
    %dma_wait3A_159 = tpu.memref_slice %arg4[%add3A_65] : memref<528384xf32, #tpu.memory_space<vmem_shared>> -> memref<32768xf32, #tpu.memory_space<vmem_shared>>
    tpu.wait_dma2 semaphore(%arg8 : memref<!tpu.dma_semaphore, #tpu.memory_space<semaphore_mem>>) src(%dma_wait3A_159 : memref<32768xf32, #tpu.memory_space<vmem_shared>>) dst(%dma_wait3A_158 : memref<32768xf32, #tpu.memory_space<hbm>>)
    %dma_wait3A_160 = tpu.memref_slice %arg3[%add3A_73] : memref<16777216xf32, #tpu.memory_space<hbm>> -> memref<32768xf32, #tpu.memory_space<hbm>>
    %dma_wait3A_161 = tpu.memref_slice %arg4[%add3A_71] : memref<528384xf32, #tpu.memory_space<vmem_shared>> -> memref<32768xf32, #tpu.memory_space<vmem_shared>>
    tpu.wait_dma2 semaphore(%arg8 : memref<!tpu.dma_semaphore, #tpu.memory_space<semaphore_mem>>) src(%dma_wait3A_161 : memref<32768xf32, #tpu.memory_space<vmem_shared>>) dst(%dma_wait3A_160 : memref<32768xf32, #tpu.memory_space<hbm>>)
    %dma_wait3A_162 = tpu.memref_slice %arg3[%add3A_79] : memref<16777216xf32, #tpu.memory_space<hbm>> -> memref<32768xf32, #tpu.memory_space<hbm>>
    %dma_wait3A_163 = tpu.memref_slice %arg4[%add3A_77] : memref<528384xf32, #tpu.memory_space<vmem_shared>> -> memref<32768xf32, #tpu.memory_space<vmem_shared>>
    tpu.wait_dma2 semaphore(%arg8 : memref<!tpu.dma_semaphore, #tpu.memory_space<semaphore_mem>>) src(%dma_wait3A_163 : memref<32768xf32, #tpu.memory_space<vmem_shared>>) dst(%dma_wait3A_162 : memref<32768xf32, #tpu.memory_space<hbm>>)
    return
  }
}

</mosaic_0001>

<sc_bundles>
// kernel: kernel.3.cloned.1.call-start
scs
__scs_entry_jumppad:
0x0: {  	(pc) =	sbr.rel $0x88, $3  }
0x1: {  	(tag) =	ssettag $0x0;
	lr =	simm.s32 $0x1  }
0x2: {  	[smem:$0x3FA0] =	sst lr;
	_ =	strace $0xD0000000  }
0x3: {  	_ = 	snop  }
0x4: {  	_ = 	snop  }
0x5: {  	_ = 	snop  }
0x6: {  	_ = 	snop  }
0x7: {  	_ = 	snop  }
__scs_overlays_trampoline_lowered:
0x8: {  	[smem:$0x3FAF] =	sst s0  }
0x9: {  	[smem:$0x3FB0] =	sst s1  }
0xa: {  	[smem:$0x3FB1] =	sst s2  }
0xb: {  	[smem:$0x3FB2] =	sst s3  }
0xc: {  	[smem:$0x3FB3] =	sst s4  }
0xd: {  	[smem:$0x3FB4] =	sst s5  }
0xe: {  	[smem:$0x3FB5] =	sst s6  }
0xf: {  	[smem:$0x3FB6] =	sst s7  }
0x10: {  	[smem:$0x3FB7] =	sst s8  }
0x11: {  	[smem:$0x3FB8] =	sst s9;
	s0 =	simm.s32 @!p0 $0x0  }
0x12: {  	s1 =	sld [smem:$0x3F9E];
	s0 =	simm.s32 @p0 $0x1  }
0x13: {  	[smem:$0x3FB9] =	sst s0;
	s0 =	simm.s32 @!p1 $0x0  }
0x14: {  	s2 =	sld [smem:$0x3F9D];
	s0 =	simm.s32 @p1 $0x1  }
0x15: {  	[smem:$0x3FBA] =	sst s0;
	s0 =	simm.s32 @!p2 $0x0  }
0x16: {  	s3 =	sld [smem:$0x3FDB];
	s0 =	simm.s32 @p2 $0x1  }
0x17: {  	s4 =	simm.s32 $0x1BF5;
	[smem:$0x3FBC] =	sst s0  }
0x18: {  	s0 =	sld [smem:$0x3F9F];
	_ =	swait.ge [sflag:s4], $0x0  }
0x19: {  	s7 =	sld [smem:$0x3FA0]  }
0x1a: {  	s8 =	sadd.s32 $0xFFFFE003, lr  }
0x1b: {  	s9 =	sadd.s32 $0xFFFFFEF7, lr;
	s5 =	simm.s32 $0xFFFFFFFF;
	p2 =	slt.u32 s8, $0xFFFFF086  }
0x1c: {  	p1 =	slt.u32 s9, $0xF7A;
	s5 =	simm.s32 @!p2 $0x0  }
0x1d: {  	s5 =	simm.s32 @p1 $0x1;
	p0 =	seq.s32 s7, s2  }
0x1e: {  	s7 =	smul.u32 @!p0 $0xF7A, s2;
	p2 =	seq.s32 @!p0 s5, $0x0  }
0x1f: {  	s9 =	smul.u32 $0xF7A, s1;
	s8 =	simm.s32 @!p0 $0x1BF5;
	p2 =	por !p2, p0  }
0x20: {  	[sflag:s8] =	ssyncset.s32 @!p0 $0xFFFFF086;
	s6 =	sadd.s32 @!p0 s3, s7;
	s7 =	simm.s32 @!p0 $0x108  }
0x21: {  	s3 =	sadd.s32 s3, s9;
	s6 =	sadd.s32 @!p0 $0x88, s6;
	s7 =	simm.s32 @p2 $0x1082  }
0x22: {  	[simem:s7], [sflag:s8] =	dma.local @!p0 [hbm:s6], $0xF7A  }
0x23: {  	s9 =	sor.u32 $0xD0000000, s2;
	s6 =	simm.s32 $0x108;
	_ =	swait.ge @!p0 [sflag:s8], $0x0  }
0x24: {  	s3 =	sadd.s32 $0x88, s3;
	s6 =	simm.s32 @!p1 $0x1082;
	[sflag:s4] =	ssyncset.s32 $0xFFFFF086  }
0x25: {  	[simem:s6], [sflag:s4] =	dma.local [hbm:s3], $0xF7A  }
0x26: {  	[smem:$0x3FA0] =	sst s1;
	(tag) =	ssettag s2;
	_ =	strace s9  }
0x27: {  	s1 =	sld [smem:$0x3FB0]  }
0x28: {  	s2 =	sld [smem:$0x3FB1]  }
0x29: {  	s4 =	sld [smem:$0x3FB3]  }
0x2a: {  	p0 =	seq.s32 s5, $0x0;
	s5 =	sld [smem:$0x3FB4]  }
0x2b: {  	s6 =	sld [smem:$0x3FB5]  }
0x2c: {  	s7 =	sld [smem:$0x3FB6]  }
0x2d: {  	s3 =	simm.s32 $0x108;
	s8 =	sld [smem:$0x3FB7]  }
0x2e: {  	s3 =	simm.s32 @!p0 $0x1082;
	s9 =	sld [smem:$0x3FB8]  }
0x2f: {  	lr =	sadd.s32 s0, s3;
	s0 =	sld [smem:$0x3FAF]  }
0x30: {  	s3 =	sld [smem:$0x3FB2]  }
0x31: {  	[smem:$0x3FBB] =	sst s10  }
0x32: {  	s10 =	sld [smem:$0x3FB9];
	_ =	sdelay $0x3  }
0x33: {  	p0 =	seq.s32 s10, $0x1;
	s10 =	sld [smem:$0x3FBB];
	_ =	sdelay $0x3  }
0x34: {  	[smem:$0x3FBB] =	sst s10  }
0x35: {  	s10 =	sld [smem:$0x3FBA];
	_ =	sdelay $0x3  }
0x36: {  	p1 =	seq.s32 s10, $0x1;
	s10 =	sld [smem:$0x3FBB];
	_ =	sdelay $0x3  }
0x37: {  	[smem:$0x3FBB] =	sst s10  }
0x38: {  	s10 =	sld [smem:$0x3FBC]  }
0x39: {  	_ = 	snop;
	(pc) =	sbr.ind lr, $3  }
0x3a: {  	_ = 	snop  }
0x3b: {  	_ = 	snop  }
0x3c: {  	p2 =	seq.s32 s10, $0x1;
	s10 =	sld [smem:$0x3FBB]  }
0x3d: {  	_ =	shalt  }
0x3e: {  	_ =	shalt  }
0x3f: {  	_ =	shalt  }
0x40: {  	_ =	shalt  }
0x41: {  	_ =	shalt  }
0x42: {  	_ =	shalt  }
0x43: {  	_ =	shalt  }
0x44: {  	_ =	shalt  }
0x45: {  	_ =	shalt  }
0x46: {  	_ =	shalt  }
0x47: {  	_ =	shalt  }
0x48: {  	_ =	shalt  }
0x49: {  	_ =	shalt  }
0x4a: {  	_ =	shalt  }
0x4b: {  	_ =	shalt  }
0x4c: {  	_ =	shalt  }
0x4d: {  	_ =	shalt  }
0x4e: {  	_ =	shalt  }
0x4f: {  	_ =	shalt  }
0x50: {  	_ =	shalt  }
0x51: {  	_ =	shalt  }
0x52: {  	_ =	shalt  }
0x53: {  	_ =	shalt  }
0x54: {  	_ =	shalt  }
0x55: {  	_ =	shalt  }
0x56: {  	_ =	shalt  }
0x57: {  	_ =	shalt  }
0x58: {  	_ =	shalt  }
0x59: {  	_ =	shalt  }
0x5a: {  	_ =	shalt  }
0x5b: {  	_ =	shalt  }
0x5c: {  	_ =	shalt  }
0x5d: {  	_ =	shalt  }
0x5e: {  	_ =	shalt  }
0x5f: {  	_ =	shalt  }
0x60: {  	_ =	shalt  }
0x61: {  	_ =	shalt  }
0x62: {  	_ =	shalt  }
0x63: {  	_ =	shalt  }
0x64: {  	_ =	shalt  }
0x65: {  	_ =	shalt  }
0x66: {  	_ =	shalt  }
0x67: {  	_ =	shalt  }
0x68: {  	_ =	shalt  }
0x69: {  	_ =	shalt  }
0x6a: {  	_ =	shalt  }
0x6b: {  	_ =	shalt  }
0x6c: {  	_ =	shalt  }
0x6d: {  	_ =	shalt  }
0x6e: {  	_ =	shalt  }
0x6f: {  	_ =	shalt  }
0x70: {  	_ =	shalt  }
0x71: {  	_ =	shalt  }
0x72: {  	_ =	shalt  }
0x73: {  	_ =	shalt  }
0x74: {  	_ =	shalt  }
0x75: {  	_ =	shalt  }
0x76: {  	_ =	shalt  }
0x77: {  	_ =	shalt  }
0x78: {  	_ =	shalt  }
0x79: {  	_ =	shalt  }
0x7a: {  	_ =	shalt  }
0x7b: {  	_ =	shalt  }
0x7c: {  	_ =	shalt  }
0x7d: {  	_ =	shalt  }
0x7e: {  	_ =	shalt  }
0x7f: {  	_ =	shalt  }
0x80: {  	_ =	shalt  }
0x81: {  	_ =	shalt  }
0x82: {  	_ =	shalt  }
0x83: {  	_ =	shalt  }
0x84: {  	_ =	shalt  }
0x85: {  	_ =	shalt  }
0x86: {  	_ =	shalt  }
0x87: {  	_ =	shalt  }
.Lfunc_end0:
.L_simem_size_0:
called_computation_lowered:
.L_overlay_start_0:
0x88: {  	s2 =	sld [smem:$0x3FD9]  }
0x89: {  	s3 =	sld [smem:$0x3FFE];
	_ =	sdelay $0x1  }
0x8a: {  	s1 =	srdreg.scid  }
0x8b: {  	s0 =	sand.u32 $0x1, s1  }
0x8c: {  	s18 =	sshll.u32 s0, $0xA;
	s2 =	sadd.s32 s3, s2  }
0x8d: {  	s2 =	sadd.s32 s2, s18  }
0x8e: {  	[smem:$0x3FC7] =	sst s2  }
0x8f: {  	_ = 	snop  }
0x90: {  	s2 =	sld [smem:$0x3FC9]  }
0x91: {  	s19 =	sld [smem:$0x3FD0];
	(tm) =	ssettm $0x1  }
0x92: {  	s4 =	sld [smem:$0x3FFB];
	_ =	sdelay $0x3  }
0x93: {  	_ =	strace s4  }
0x94: {  	s4 =	sld [smem:$0x3FFC];
	_ =	sdelay $0x3  }
0x95: {  	_ =	strace s4  }
0x96: {  	s4 =	sld [smem:$0x3FFD];
	_ =	sdelay $0x3  }
0x97: {  	_ =	strace s4  }
0x98: {  	_ =	strace $0x8FFFFFFF  }
0x99: {  	s20 =	sld [smem:$0x3FDB];
	_ =	sdelay $0x1  }
0x9a: {  	s5 =	simm.s32 $_scs_section_size  }
0x9b: {  	s6 =	simm.s32 $_size__tile_overlayer_lowered;
	s7 =	simm.s32 $_tile_overlayer_lowered  }
0x9c: {  	s23 =	simm.s32 $0x1BFF;
	s22 =	sshll.u32 s7, $0x1;
	s4 =	sadd.s32 s5, s20  }
0x9d: {  	s8 =	simm.s32 $0x0;
	s21 =	sshll.u32 s6, $0x1;
	s6 =	sadd.s32 s22, s4  }
0x9e: {  	[timem:s8], [sflag:s23] =	dma.local [hbm:s6], s21  }
0x9f: {  	_ =	swait.ge [sflag:s23], s21  }
0xa0: {  	s5 =	ssub.s32 $0x0, s21;
	[sflag:s23] =	ssyncset.done $0x0  }
0xa1: {  	[sflag:s23] =	ssyncadd.s32 s5;
	_ =	sdelay $0x1  }
0xa2: {  	s24 =	simm.s32 $0x1B8B  }
0xa3: {  	_ =	swait.ge [sflag:s24], $0x1  }
0xa4: {  	[sflag:s24] =	ssyncset.done $0x0  }
0xa5: {  	s25 =	simm.s32 $0x1B8E;
	[sflag:s24] =	ssyncadd.s32 $0xFFFFFFFF  }
0xa6: {  	s26 =	simm.s32 $execute0_lowered;
	[smem:$0x3FD2] =	sst s25  }
0xa7: {  	s5 =	sshll.u32 s26, $0x1;
	_ =	strace $0x80000046;
	[dreg:$0x1] =	wrdreg $0xFFFFFFFF  }
0xa8: {  	s28 =	simm.s32 $_size_execute0_lowered;
	s4 =	sadd.s32 s4, s5;
	[dreg:$0x0] =	wrdreg $0x0  }
0xa9: {  	s5 =	sshll.u32 s28, $0x1;
	[dreg:$0x2] =	wrdreg s4  }
0xaa: {  	[dreg:$0x3] =	wrdreg s5  }
0xab: {  	[dreg:$0x4] =	wrdreg $0xC0  }
0xac: {  	_ =	task [dreg:s8], $0x5FFFF  }
0xad: {  	[dreg:$0x1] =	wrdreg $0xFFFFFFFF  }
0xae: {  	[dreg:$0x0] =	wrdreg $0x60  }
0xaf: {  	[dreg:$0x2] =	wrdreg s2  }
0xb0: {  	[dreg:$0x3] =	wrdreg s19  }
0xb1: {  	[dreg:$0x4] =	wrdreg $0x0  }
0xb2: {  	[dreg:$0x5] =	wrdreg $0x9  }
0xb3: {  	_ =	task.clear_ibuf [dreg:s8], $0x6FFFF;
	_ =	strace $0x90000046  }
0xb4: {  	s29 =	simm.s32 $0x9;
	_ =	strace $0x80000048  }
0xb5: {  	_ =	swait.ge [sflag:s29], $0x1  }
0xb6: {  	[sflag:s29] =	ssyncadd.s32 $0xFFFFFFFF  }
0xb7: {  	_ =	strace $0x90000048  }
0xb8: {  	_ =	sfence  }
0xb9: {  	s30 =	sld [smem:$0x0];
	_ =	sdelay $0x2  }
0xba: {  	s31 =	sshll.u32 s1, $0xD;
	s1 =	sshrl.u32 s1, $0x2  }
0xbb: {  	s3 =	sand.u32 $0x4000, s31;
	s1 =	sadd.s32 s1, s30  }
0xbc: {  	s0 =	sor.u32 s3, s0;
	s1 =	sshll.u32 s1, $0x11  }
0xbd: {  	s0 =	sor.u32 s1, s0  }
0xbe: {  	s0 =	sadd.s32 $0x8F2B, s0  }
0xbf: {  	[sflag:s0] =	ssyncadd.remote.s32 $0x1  }
0xc0: {  	_ =	sfence.sel $0xFFFF  }
0xc1: {  	[dreg:$0x0] =	wrdreg $0xFFFFFFFF;
	(pc) =	sbr.abs _section_cstart, $3  }
0xc2: {  	[dreg:$0x1] =	wrdreg $0xFFFFFFFF  }
0xc3: {  	_ =	task.clear_ibuf [dreg:s8], $0x2FFFF;
	_ =	strace $0x9FFFFFFF  }
0xc4: {  	(tm) =	ssettm $0x7FFFFFFF  }
0xc5: {  	_ =	shalt  }
tec
execute0_lowered:
.L_overlay_start_1:
0x0: {  	(tag) =	ssettag $0x1  }
0x1: {  	s0 =	rddreg [dreg:$0x0]  }
0x2: {  	s1 =	rddreg [dreg:$0x1]  }
0x3: {  	s3 =	rddreg [dreg:$0x2];
	s2 =	simm.s32 $0x0;
	s8 =	stileid.u32  }
0x4: {  	s5 =	srdreg.scid;
	s29 =	simm.s32 $0x1;
	p0 =	por $0x0, $0x0  }
0x5: {  	[smem:$0x7FF] =	sst s2;
	s4 =	smul.u32 $0x8100, s8;
	s5 =	sand.u32 $0x1, s5  }
0x6: {  	s6 =	sshll.u32 s8, $0x1;
	s26 =	sshll.u32 s8, $0x6;
	_ =	strace $0x80000047  }
0x7: {  	s9 =	ssub.s32 $0x2, s5;
	s5 =	sor.u32 s5, s6;
	[dreg:$0x14] =	wrdreg s26  }
0x8: {  	s6 =	sor.u32 $0x1C01, s26;
	s7 =	sshrl.u32 s4, $0x3;
	s31 =	sshll.u32 s5, $0x10  }
0x9: {  	[dreg:$0x5] =	wrdreg s6;
	s12 =	sadd.s32 s4, s3;
	s14 =	sshll.u32 s5, $0x7  }
0xa: {  	s0 =	sadd.s32 s0, s7;
	s8 =	sadd.s32 s1, s31;
	s7 =	sshrl.u32 s9, $0x1  }
0xb: {  	s3 =	ssub.s32 s3, s14;
	s30 =	sshrl.u32 s12, $0x3;
	s12 =	simm.s32 $0x8100  }
0xc: {  	s0 =	sadd.s32 $0xFE00, s0;
	s10 =	sadd.s32 $0x1000, s8;
	s21 =	ssub.s32 s9, s7  }
0xd: {  	s11 =	sadd.s32 $0x2000, s8;
	s13 =	sadd.s32 $0x3000, s8;
	[dreg:$0x4] =	wrdreg s0  }
0xe: {  	s15 =	sadd.s32 $0x4000, s8;
	s16 =	sadd.s32 $0x5000, s8;
	[dreg:$0x6] =	wrdreg s10  }
0xf: {  	s17 =	sadd.s32 $0x6000, s8;
	s14 =	sadd.s32 $0x9000, s3;
	[dreg:$0x7] =	wrdreg s11  }
0x10: {  	s18 =	sadd.s32 $0x7000, s8;
	s19 =	sadd.s32 $0x8000, s8;
	[dreg:$0x8] =	wrdreg s13  }
0x11: {  	s20 =	sadd.s32 $0x9000, s8;
	s22 =	sadd.s32 $0xA000, s8;
	[dreg:$0x9] =	wrdreg s15  }
0x12: {  	s23 =	sadd.s32 $0x59000, s3;
	s24 =	sadd.s32 $0xB000, s8;
	[dreg:$0xa] =	wrdreg s16  }
0x13: {  	s25 =	sadd.s32 $0x61000, s3;
	s31 =	sadd.s32 $0x41000, s3;
	[dreg:$0xb] =	wrdreg s17  }
0x14: {  	s26 =	sadd.s32 $0xC000, s8;
	s6 =	sadd.s32 $0x49000, s3;
	[dreg:$0xc] =	wrdreg s18  }
0x15: {  	s1 =	sadd.s32 $0x51000, s3;
	s9 =	sadd.s32 $0x71000, s3;
	[dreg:$0xd] =	wrdreg s19  }
0x16: {  	s7 =	sadd.s32 $0xE000, s8;
	s5 =	sadd.s32 $0x79000, s3;
	[dreg:$0xe] =	wrdreg s20  }
0x17: {  	s4 =	sadd.s32 $0xF000, s8;
	s13 =	sadd.s32 $0x1000, s3;
	[dreg:$0xf] =	wrdreg s22  }
0x18: {  	s15 =	sadd.s32 $0x11000, s3;
	s16 =	sadd.s32 $0x19000, s3;
	[dreg:$0x10] =	wrdreg s23  }
0x19: {  	s17 =	sadd.s32 $0x21000, s3;
	s18 =	sadd.s32 $0x29000, s3;
	[dreg:$0x11] =	wrdreg s24  }
0x1a: {  	s19 =	sadd.s32 $0x31000, s3;
	s20 =	sadd.s32 $0x39000, s3;
	[dreg:$0x12] =	wrdreg s25  }
0x1b: {  	[dreg:$0x13] =	wrdreg s26;
	s11 =	sadd.s32 $0x69000, s3;
	s10 =	sadd.s32 $0xD000, s8  }
0x1c: {  	s3 =	smax.u32 s21, $0x1;
	s26 =	sshrl.u32 s14, $0x3;
	s14 =	simm.s32 $0x4  }
0x1d: {  	s28 =	sshrl.u32 s13, $0x3;
	s25 =	sshrl.u32 s15, $0x3;
	p1 =	sne.s32 s3, $0x1  }
.Ltmp0:
0x1e: {  	s24 =	sshrl.u32 s16, $0x3;
	s23 =	sshrl.u32 s17, $0x3;
	(pc) =	sbr.rel @!p1 .LBB2_3-.Ltmp0, $4  }
0x1f: {  	s22 =	sshrl.u32 s18, $0x3;
	s21 =	sshrl.u32 s19, $0x3;
	s20 =	sshrl.u32 s20, $0x3  }
0x20: {  	s19 =	sshrl.u32 s31, $0x3;
	s18 =	sshrl.u32 s6, $0x3;
	s17 =	sshrl.u32 s1, $0x3  }
0x21: {  	s0 =	sadd.s32 $0xFFFFFFFF, s3;
	s15 =	simm.s32 $0x3;
	s16 =	simm.s32 $0x10100  }
0x22: {  	s13 =	simm.s32 $0x5;
	s3 =	simm.s32 $0x2;
	s1 =	rddreg [dreg:$0x4]  }
0x23: {  	s6 =	rddreg [dreg:$0x5]  }
0x24: {  	[spmem:s30], [sflag:s6] =	dma.local [hbm:s1], $0x1020  }
0x25: {  	_ =	swait.ge [sflag:s29], $0x1020  }
0x26: {  	[sflag:s29] =	ssyncset.done $0x0  }
0x27: {  	[sflag:s29] =	ssyncadd.s32 $0xFFFFEFE0  }
0x28: {  	[bflag:$0x0] =	sbarrier.arrive $0xFFFF  }
0x29: {  	s6 =	rddreg [dreg:$0x14]  }
0x2a: {  	s31 =	sor.u32 $0x1C02, s6  }
0x2b: {  	[hbm:s8], [sflag:s31] =	dma.local [spmem:s28], $0x1000  }
0x2c: {  	s6 =	rddreg [dreg:$0x6]  }
0x2d: {  	[hbm:s6], [sflag:s31] =	dma.local [spmem:s26], $0x1000  }
0x2e: {  	s1 =	rddreg [dreg:$0x7]  }
0x2f: {  	[hbm:s1], [sflag:s31] =	dma.local [spmem:s25], $0x1000  }
0x30: {  	s1 =	rddreg [dreg:$0x8]  }
0x31: {  	[hbm:s1], [sflag:s31] =	dma.local [spmem:s24], $0x1000  }
0x32: {  	s1 =	rddreg [dreg:$0x9]  }
0x33: {  	[hbm:s1], [sflag:s31] =	dma.local [spmem:s23], $0x1000  }
0x34: {  	s1 =	rddreg [dreg:$0xa]  }
0x35: {  	[hbm:s1], [sflag:s31] =	dma.local [spmem:s22], $0x1000  }
0x36: {  	s1 =	rddreg [dreg:$0xb]  }
0x37: {  	[hbm:s1], [sflag:s31] =	dma.local [spmem:s21], $0x1000  }
0x38: {  	s1 =	rddreg [dreg:$0xc]  }
0x39: {  	[hbm:s1], [sflag:s31] =	dma.local [spmem:s20], $0x1000  }
0x3a: {  	s1 =	rddreg [dreg:$0xd]  }
0x3b: {  	[hbm:s1], [sflag:s31] =	dma.local [spmem:s19], $0x1000  }
0x3c: {  	s1 =	rddreg [dreg:$0xe]  }
0x3d: {  	[hbm:s1], [sflag:s31] =	dma.local [spmem:s18], $0x1000  }
0x3e: {  	s1 =	rddreg [dreg:$0xf]  }
0x3f: {  	[hbm:s1], [sflag:s31] =	dma.local [spmem:s17], $0x1000  }
0x40: {  	s1 =	rddreg [dreg:$0x10]  }
0x41: {  	[tilespmem:s12], [sflag:$0x3] =	stream.linear.gather [spmem:s1], $0x8000, $0x38;
	[tilespmem:$0x18100] =	vst v63  }
0x42: {  	_ =	swait.ge [sflag:s15], $0x8000  }
0x43: {  	[sflag:s15] =	ssyncset.done $0x0  }
0x44: {  	s1 =	rddreg [dreg:$0x11];
	[sflag:s15] =	ssyncadd.s32 $0xFFFF8000  }
0x45: {  	[hbm4b:s1+s2] =	stream.linear.scatter [tilespmem:s12], [sflag:$0x4], $0x8000, $0x38;
	[tilespmem:$0x18100] =	vst v63  }
0x46: {  	s6 =	rddreg [dreg:$0x12]  }
0x47: {  	[tilespmem:s16], [sflag:$0x3] =	stream.linear.gather [spmem:s6], $0x8000, $0x38;
	[tilespmem:$0x18100] =	vst v63  }
0x48: {  	_ =	swait.ge [sflag:s15], $0x8000  }
0x49: {  	[sflag:s15] =	ssyncset.done $0x0  }
0x4a: {  	s6 =	rddreg [dreg:$0x13];
	[sflag:s15] =	ssyncadd.s32 $0xFFFF8000  }
0x4b: {  	[hbm4b:s6+s2] =	stream.linear.scatter [tilespmem:s16], [sflag:$0x5], $0x8000, $0x38;
	[tilespmem:$0x18100] =	vst v63  }
0x4c: {  	_ =	swait.ge [sflag:s14], $0x8000  }
0x4d: {  	[sflag:s14] =	ssyncset.done $0x0  }
0x4e: {  	[sflag:s14] =	ssyncadd.s32 $0xFFFF8000  }
0x4f: {  	[tilespmem:s12], [sflag:$0x3] =	stream.linear.gather [spmem:s11], $0x8000, $0x38;
	[tilespmem:$0x18100] =	vst v63  }
0x50: {  	_ =	swait.ge [sflag:s15], $0x8000  }
0x51: {  	[sflag:s15] =	ssyncset.done $0x0  }
0x52: {  	[sflag:s15] =	ssyncadd.s32 $0xFFFF8000  }
0x53: {  	[hbm4b:s10+s2] =	stream.linear.scatter [tilespmem:s12], [sflag:$0x4], $0x8000, $0x38;
	[tilespmem:$0x18100] =	vst v63  }
0x54: {  	_ =	swait.ge [sflag:s13], $0x8000  }
0x55: {  	[sflag:s13] =	ssyncset.done $0x0  }
0x56: {  	[sflag:s13] =	ssyncadd.s32 $0xFFFF8000  }
0x57: {  	[tilespmem:s16], [sflag:$0x3] =	stream.linear.gather [spmem:s9], $0x8000, $0x38;
	[tilespmem:$0x18100] =	vst v63  }
0x58: {  	_ =	swait.ge [sflag:s15], $0x8000  }
0x59: {  	[sflag:s15] =	ssyncset.done $0x0  }
0x5a: {  	[sflag:s15] =	ssyncadd.s32 $0xFFFF8000  }
0x5b: {  	[hbm4b:s7+s2] =	stream.linear.scatter [tilespmem:s16], [sflag:$0x5], $0x8000, $0x38;
	[tilespmem:$0x18100] =	vst v63  }
0x5c: {  	_ =	swait.ge [sflag:s14], $0x8000  }
0x5d: {  	[sflag:s14] =	ssyncset.done $0x0  }
0x5e: {  	[sflag:s14] =	ssyncadd.s32 $0xFFFF8000  }
0x5f: {  	[tilespmem:s12], [sflag:$0x3] =	stream.linear.gather [spmem:s5], $0x8000, $0x38;
	[tilespmem:$0x18100] =	vst v63  }
0x60: {  	_ =	swait.ge [sflag:s15], $0x8000  }
0x61: {  	[sflag:s15] =	ssyncset.done $0x0  }
0x62: {  	[sflag:s15] =	ssyncadd.s32 $0xFFFF8000  }
0x63: {  	[hbm4b:s4+s2] =	stream.linear.scatter [tilespmem:s12], [sflag:$0x4], $0x8000, $0x38;
	[tilespmem:$0x18100] =	vst v63  }
0x64: {  	_ =	swait.ge [sflag:s14], $0x8000  }
0x65: {  	[sflag:s14] =	ssyncset.done $0x0  }
0x66: {  	[sflag:s14] =	ssyncadd.s32 $0xFFFF8000  }
0x67: {  	_ =	swait.ge [sflag:s13], $0x8000  }
0x68: {  	[sflag:s13] =	ssyncset.done $0x0  }
0x69: {  	[sflag:s13] =	ssyncadd.s32 $0xFFFF8000  }
0x6a: {  	_ =	swait.ge [sflag:s3], $0x1000  }
0x6b: {  	[sflag:s3] =	ssyncset.done $0x0  }
0x6c: {  	[sflag:s3] =	ssyncadd.s32 $0xFFFFF000  }
0x6d: {  	_ =	swait.ge [sflag:s3], $0x1000  }
0x6e: {  	[sflag:s3] =	ssyncset.done $0x0  }
0x6f: {  	[sflag:s3] =	ssyncadd.s32 $0xFFFFF000  }
0x70: {  	_ =	swait.ge [sflag:s3], $0x1000  }
0x71: {  	[sflag:s3] =	ssyncset.done $0x0  }
0x72: {  	[sflag:s3] =	ssyncadd.s32 $0xFFFFF000  }
0x73: {  	_ =	swait.ge [sflag:s3], $0x1000  }
0x74: {  	[sflag:s3] =	ssyncset.done $0x0  }
0x75: {  	[sflag:s3] =	ssyncadd.s32 $0xFFFFF000  }
0x76: {  	_ =	swait.ge [sflag:s3], $0x1000  }
0x77: {  	[sflag:s3] =	ssyncset.done $0x0  }
0x78: {  	[sflag:s3] =	ssyncadd.s32 $0xFFFFF000  }
0x79: {  	_ =	swait.ge [sflag:s3], $0x1000  }
0x7a: {  	[sflag:s3] =	ssyncset.done $0x0  }
0x7b: {  	[sflag:s3] =	ssyncadd.s32 $0xFFFFF000  }
0x7c: {  	_ =	swait.ge [sflag:s3], $0x1000  }
0x7d: {  	[sflag:s3] =	ssyncset.done $0x0  }
0x7e: {  	[sflag:s3] =	ssyncadd.s32 $0xFFFFF000  }
0x7f: {  	_ =	swait.ge [sflag:s3], $0x1000  }
0x80: {  	[sflag:s3] =	ssyncset.done $0x0  }
0x81: {  	[sflag:s3] =	ssyncadd.s32 $0xFFFFF000  }
0x82: {  	_ =	swait.ge [sflag:s3], $0x1000  }
0x83: {  	[sflag:s3] =	ssyncset.done $0x0  }
0x84: {  	p1 =	sne.s32 s0, $0x1;
	[sflag:s3] =	ssyncadd.s32 $0xFFFFF000  }
.Ltmp1:
0x85: {  	_ =	swait.ge [sflag:s3], $0x1000;
	(pc) =	sbr.rel @!p1 .LBB2_3-.Ltmp1, $4  }
0x86: {  	[sflag:s3] =	ssyncset.done $0x0  }
0x87: {  	[sflag:s3] =	ssyncadd.s32 $0xFFFFF000  }
0x88: {  	s0 =	sadd.s32 $0xFFFFFFFF, s0;
	_ =	swait.ge [sflag:s3], $0x1000  }
0x89: {  	p0 =	por $0x1, $0x1;
	s1 =	rddreg [dreg:$0x4];
	[sflag:s3] =	ssyncset.done $0x0  }
.LBB2_2:
0x8a: {  	s6 =	rddreg [dreg:$0x5];
	[sflag:s3] =	ssyncadd.s32 $0xFFFFF000  }
0x8b: {  	[spmem:s30], [sflag:s6] =	dma.local [hbm:s1], $0x1020  }
0x8c: {  	_ =	swait.ge [sflag:s29], $0x1020  }
0x8d: {  	[sflag:s29] =	ssyncset.done $0x0  }
0x8e: {  	[sflag:s29] =	ssyncadd.s32 $0xFFFFEFE0  }
0x8f: {  	[bflag:$0x0] =	sbarrier.arrive $0xFFFF  }
0x90: {  	[hbm:s8], [sflag:s31] =	dma.local [spmem:s28], $0x1000  }
0x91: {  	s6 =	rddreg [dreg:$0x6]  }
0x92: {  	[hbm:s6], [sflag:s31] =	dma.local [spmem:s26], $0x1000  }
0x93: {  	s1 =	rddreg [dreg:$0x7]  }
0x94: {  	[hbm:s1], [sflag:s31] =	dma.local [spmem:s25], $0x1000  }
0x95: {  	s1 =	rddreg [dreg:$0x8]  }
0x96: {  	[hbm:s1], [sflag:s31] =	dma.local [spmem:s24], $0x1000  }
0x97: {  	s1 =	rddreg [dreg:$0x9]  }
0x98: {  	[hbm:s1], [sflag:s31] =	dma.local [spmem:s23], $0x1000  }
0x99: {  	s1 =	rddreg [dreg:$0xa]  }
0x9a: {  	[hbm:s1], [sflag:s31] =	dma.local [spmem:s22], $0x1000  }
0x9b: {  	s1 =	rddreg [dreg:$0xb]  }
0x9c: {  	[hbm:s1], [sflag:s31] =	dma.local [spmem:s21], $0x1000  }
0x9d: {  	s1 =	rddreg [dreg:$0xc]  }
0x9e: {  	[hbm:s1], [sflag:s31] =	dma.local [spmem:s20], $0x1000  }
0x9f: {  	s1 =	rddreg [dreg:$0xd]  }
0xa0: {  	[hbm:s1], [sflag:s31] =	dma.local [spmem:s19], $0x1000  }
0xa1: {  	s1 =	rddreg [dreg:$0xe]  }
0xa2: {  	[hbm:s1], [sflag:s31] =	dma.local [spmem:s18], $0x1000  }
0xa3: {  	s1 =	rddreg [dreg:$0xf]  }
0xa4: {  	[hbm:s1], [sflag:s31] =	dma.local [spmem:s17], $0x1000  }
0xa5: {  	s1 =	rddreg [dreg:$0x10]  }
0xa6: {  	[tilespmem:s12], [sflag:$0x3] =	stream.linear.gather [spmem:s1], $0x8000, $0x38;
	[tilespmem:$0x18100] =	vst v63  }
0xa7: {  	_ =	swait.ge [sflag:s15], $0x8000  }
0xa8: {  	[sflag:s15] =	ssyncset.done $0x0  }
0xa9: {  	s1 =	rddreg [dreg:$0x11];
	[sflag:s15] =	ssyncadd.s32 $0xFFFF8000  }
0xaa: {  	[hbm4b:s1+s2] =	stream.linear.scatter [tilespmem:s12], [sflag:$0x4], $0x8000, $0x38;
	[tilespmem:$0x18100] =	vst v63  }
0xab: {  	s6 =	rddreg [dreg:$0x12]  }
0xac: {  	[tilespmem:s16], [sflag:$0x3] =	stream.linear.gather [spmem:s6], $0x8000, $0x38;
	[tilespmem:$0x18100] =	vst v63  }
0xad: {  	_ =	swait.ge [sflag:s15], $0x8000  }
0xae: {  	[sflag:s15] =	ssyncset.done $0x0  }
0xaf: {  	s6 =	rddreg [dreg:$0x13];
	[sflag:s15] =	ssyncadd.s32 $0xFFFF8000  }
0xb0: {  	[hbm4b:s6+s2] =	stream.linear.scatter [tilespmem:s16], [sflag:$0x5], $0x8000, $0x38;
	[tilespmem:$0x18100] =	vst v63  }
0xb1: {  	_ =	swait.ge [sflag:s14], $0x8000  }
0xb2: {  	[sflag:s14] =	ssyncset.done $0x0  }
0xb3: {  	[sflag:s14] =	ssyncadd.s32 $0xFFFF8000  }
0xb4: {  	[tilespmem:s12], [sflag:$0x3] =	stream.linear.gather [spmem:s11], $0x8000, $0x38;
	[tilespmem:$0x18100] =	vst v63  }
0xb5: {  	_ =	swait.ge [sflag:s15], $0x8000  }
0xb6: {  	[sflag:s15] =	ssyncset.done $0x0  }
0xb7: {  	[sflag:s15] =	ssyncadd.s32 $0xFFFF8000  }
0xb8: {  	[hbm4b:s10+s2] =	stream.linear.scatter [tilespmem:s12], [sflag:$0x4], $0x8000, $0x38;
	[tilespmem:$0x18100] =	vst v63  }
0xb9: {  	_ =	swait.ge [sflag:s13], $0x8000  }
0xba: {  	[sflag:s13] =	ssyncset.done $0x0  }
0xbb: {  	[sflag:s13] =	ssyncadd.s32 $0xFFFF8000  }
0xbc: {  	[tilespmem:s16], [sflag:$0x3] =	stream.linear.gather [spmem:s9], $0x8000, $0x38;
	[tilespmem:$0x18100] =	vst v63  }
0xbd: {  	_ =	swait.ge [sflag:s15], $0x8000  }
0xbe: {  	[sflag:s15] =	ssyncset.done $0x0  }
0xbf: {  	[sflag:s15] =	ssyncadd.s32 $0xFFFF8000  }
0xc0: {  	[hbm4b:s7+s2] =	stream.linear.scatter [tilespmem:s16], [sflag:$0x5], $0x8000, $0x38;
	[tilespmem:$0x18100] =	vst v63  }
0xc1: {  	_ =	swait.ge [sflag:s14], $0x8000  }
0xc2: {  	[sflag:s14] =	ssyncset.done $0x0  }
0xc3: {  	[sflag:s14] =	ssyncadd.s32 $0xFFFF8000  }
0xc4: {  	[tilespmem:s12], [sflag:$0x3] =	stream.linear.gather [spmem:s5], $0x8000, $0x38;
	[tilespmem:$0x18100] =	vst v63  }
0xc5: {  	_ =	swait.ge [sflag:s15], $0x8000  }
0xc6: {  	[sflag:s15] =	ssyncset.done $0x0  }
0xc7: {  	[sflag:s15] =	ssyncadd.s32 $0xFFFF8000  }
0xc8: {  	[hbm4b:s4+s2] =	stream.linear.scatter [tilespmem:s12], [sflag:$0x4], $0x8000, $0x38;
	[tilespmem:$0x18100] =	vst v63  }
0xc9: {  	_ =	swait.ge [sflag:s14], $0x8000  }
0xca: {  	[sflag:s14] =	ssyncset.done $0x0  }
0xcb: {  	[sflag:s14] =	ssyncadd.s32 $0xFFFF8000  }
0xcc: {  	_ =	swait.ge [sflag:s13], $0x8000  }
0xcd: {  	[sflag:s13] =	ssyncset.done $0x0  }
0xce: {  	[sflag:s13] =	ssyncadd.s32 $0xFFFF8000  }
0xcf: {  	_ =	swait.ge [sflag:s3], $0x1000  }
0xd0: {  	[sflag:s3] =	ssyncset.done $0x0  }
0xd1: {  	[sflag:s3] =	ssyncadd.s32 $0xFFFFF000  }
0xd2: {  	_ =	swait.ge [sflag:s3], $0x1000  }
0xd3: {  	[sflag:s3] =	ssyncset.done $0x0  }
0xd4: {  	[sflag:s3] =	ssyncadd.s32 $0xFFFFF000  }
0xd5: {  	_ =	swait.ge [sflag:s3], $0x1000  }
0xd6: {  	[sflag:s3] =	ssyncset.done $0x0  }
0xd7: {  	[sflag:s3] =	ssyncadd.s32 $0xFFFFF000  }
0xd8: {  	_ =	swait.ge [sflag:s3], $0x1000  }
0xd9: {  	[sflag:s3] =	ssyncset.done $0x0  }
0xda: {  	[sflag:s3] =	ssyncadd.s32 $0xFFFFF000  }
0xdb: {  	_ =	swait.ge [sflag:s3], $0x1000  }
0xdc: {  	[sflag:s3] =	ssyncset.done $0x0  }
0xdd: {  	[sflag:s3] =	ssyncadd.s32 $0xFFFFF000  }
0xde: {  	_ =	swait.ge [sflag:s3], $0x1000  }
0xdf: {  	[sflag:s3] =	ssyncset.done $0x0  }
0xe0: {  	[sflag:s3] =	ssyncadd.s32 $0xFFFFF000  }
0xe1: {  	_ =	swait.ge [sflag:s3], $0x1000  }
0xe2: {  	[sflag:s3] =	ssyncset.done $0x0  }
0xe3: {  	[sflag:s3] =	ssyncadd.s32 $0xFFFFF000  }
0xe4: {  	_ =	swait.ge [sflag:s3], $0x1000  }
0xe5: {  	[sflag:s3] =	ssyncset.done $0x0  }
0xe6: {  	[sflag:s3] =	ssyncadd.s32 $0xFFFFF000  }
0xe7: {  	_ =	swait.ge [sflag:s3], $0x1000  }
0xe8: {  	[sflag:s3] =	ssyncset.done $0x0  }
0xe9: {  	p1 =	sne.s32 s0, $0x1;
	[sflag:s3] =	ssyncadd.s32 $0xFFFFF000  }
.Ltmp2:
0xea: {  	_ =	swait.ge [sflag:s3], $0x1000;
	(pc) =	sbr.rel @p1 .LBB2_2-.Ltmp2, $4  }
0xeb: {  	[sflag:s3] =	ssyncset.done $0x0  }
0xec: {  	[sflag:s3] =	ssyncadd.s32 $0xFFFFF000  }
0xed: {  	_ =	swait.ge [sflag:s3], $0x1000  }
0xee: {  	s0 =	sadd.s32 $0xFFFFFFFF, s0;
	s1 =	rddreg [dreg:$0x4];
	[sflag:s3] =	ssyncset.done $0x0  }
.LBB2_3:
0xef: {  	s0 =	rddreg [dreg:$0x5];
	[sflag:s3] =	ssyncadd.s32 @p0 $0xFFFFF000  }
0xf0: {  	[spmem:s30], [sflag:s0] =	dma.local [hbm:s1], $0x1020  }
0xf1: {  	_ =	swait.ge [sflag:s29], $0x1020  }
0xf2: {  	[sflag:s29] =	ssyncset.done $0x0  }
0xf3: {  	[sflag:s29] =	ssyncadd.s32 $0xFFFFEFE0  }
0xf4: {  	[bflag:$0x0] =	sbarrier.arrive $0xFFFF  }
0xf5: {  	s6 =	rddreg [dreg:$0x14]  }
0xf6: {  	s0 =	sor.u32 $0x1C02, s6  }
0xf7: {  	[hbm:s8], [sflag:s0] =	dma.local [spmem:s28], $0x1000  }
0xf8: {  	s8 =	rddreg [dreg:$0x6]  }
0xf9: {  	[hbm:s8], [sflag:s0] =	dma.local [spmem:s26], $0x1000  }
0xfa: {  	s1 =	rddreg [dreg:$0x7]  }
0xfb: {  	[hbm:s1], [sflag:s0] =	dma.local [spmem:s25], $0x1000  }
0xfc: {  	s1 =	rddreg [dreg:$0x8]  }
0xfd: {  	[hbm:s1], [sflag:s0] =	dma.local [spmem:s24], $0x1000  }
0xfe: {  	s1 =	rddreg [dreg:$0x9]  }
0xff: {  	[hbm:s1], [sflag:s0] =	dma.local [spmem:s23], $0x1000  }
0x100: {  	s1 =	rddreg [dreg:$0xa]  }
0x101: {  	[hbm:s1], [sflag:s0] =	dma.local [spmem:s22], $0x1000  }
0x102: {  	s1 =	rddreg [dreg:$0xb]  }
0x103: {  	[hbm:s1], [sflag:s0] =	dma.local [spmem:s21], $0x1000  }
0x104: {  	s1 =	rddreg [dreg:$0xc]  }
0x105: {  	[hbm:s1], [sflag:s0] =	dma.local [spmem:s20], $0x1000  }
0x106: {  	s1 =	rddreg [dreg:$0xd]  }
0x107: {  	[hbm:s1], [sflag:s0] =	dma.local [spmem:s19], $0x1000  }
0x108: {  	s1 =	rddreg [dreg:$0xe]  }
0x109: {  	[hbm:s1], [sflag:s0] =	dma.local [spmem:s18], $0x1000  }
0x10a: {  	s1 =	rddreg [dreg:$0xf]  }
0x10b: {  	[hbm:s1], [sflag:s0] =	dma.local [spmem:s17], $0x1000  }
0x10c: {  	s0 =	rddreg [dreg:$0x10]  }
0x10d: {  	[tilespmem:s12], [sflag:$0x3] =	stream.linear.gather [spmem:s0], $0x8000, $0x38;
	[tilespmem:$0x18100] =	vst v63  }
0x10e: {  	_ =	swait.ge [sflag:s15], $0x8000  }
0x10f: {  	[sflag:s15] =	ssyncset.done $0x0  }
0x110: {  	s28 =	rddreg [dreg:$0x11];
	[sflag:s15] =	ssyncadd.s32 $0xFFFF8000  }
0x111: {  	[hbm4b:s28+s2] =	stream.linear.scatter [tilespmem:s12], [sflag:$0x4], $0x8000, $0x38;
	[tilespmem:$0x18100] =	vst v63  }
0x112: {  	s29 =	rddreg [dreg:$0x12]  }
0x113: {  	[tilespmem:s16], [sflag:$0x3] =	stream.linear.gather [spmem:s29], $0x8000, $0x38;
	[tilespmem:$0x18100] =	vst v63  }
0x114: {  	_ =	swait.ge [sflag:s15], $0x8000  }
0x115: {  	[sflag:s15] =	ssyncset.done $0x0  }
0x116: {  	s30 =	rddreg [dreg:$0x13];
	[sflag:s15] =	ssyncadd.s32 $0xFFFF8000  }
0x117: {  	[hbm4b:s30+s2] =	stream.linear.scatter [tilespmem:s16], [sflag:$0x5], $0x8000, $0x38;
	[tilespmem:$0x18100] =	vst v63  }
0x118: {  	_ =	swait.ge [sflag:s14], $0x8000  }
0x119: {  	[sflag:s14] =	ssyncset.done $0x0  }
0x11a: {  	[sflag:s14] =	ssyncadd.s32 $0xFFFF8000  }
0x11b: {  	[tilespmem:s12], [sflag:$0x3] =	stream.linear.gather [spmem:s11], $0x8000, $0x38;
	[tilespmem:$0x18100] =	vst v63  }
0x11c: {  	_ =	swait.ge [sflag:s15], $0x8000  }
0x11d: {  	[sflag:s15] =	ssyncset.done $0x0  }
0x11e: {  	[sflag:s15] =	ssyncadd.s32 $0xFFFF8000  }
0x11f: {  	[hbm4b:s10+s2] =	stream.linear.scatter [tilespmem:s12], [sflag:$0x4], $0x8000, $0x38;
	[tilespmem:$0x18100] =	vst v63  }
0x120: {  	_ =	swait.ge [sflag:s13], $0x8000  }
0x121: {  	[sflag:s13] =	ssyncset.done $0x0  }
0x122: {  	[sflag:s13] =	ssyncadd.s32 $0xFFFF8000  }
0x123: {  	[tilespmem:s16], [sflag:$0x3] =	stream.linear.gather [spmem:s9], $0x8000, $0x38;
	[tilespmem:$0x18100] =	vst v63  }
0x124: {  	_ =	swait.ge [sflag:s15], $0x8000  }
0x125: {  	[sflag:s15] =	ssyncset.done $0x0  }
0x126: {  	[sflag:s15] =	ssyncadd.s32 $0xFFFF8000  }
0x127: {  	[hbm4b:s7+s2] =	stream.linear.scatter [tilespmem:s16], [sflag:$0x5], $0x8000, $0x38;
	[tilespmem:$0x18100] =	vst v63  }
0x128: {  	_ =	swait.ge [sflag:s14], $0x8000  }
0x129: {  	[sflag:s14] =	ssyncset.done $0x0  }
0x12a: {  	[sflag:s14] =	ssyncadd.s32 $0xFFFF8000  }
0x12b: {  	[tilespmem:s12], [sflag:$0x3] =	stream.linear.gather [spmem:s5], $0x8000, $0x38;
	[tilespmem:$0x18100] =	vst v63  }
0x12c: {  	_ =	swait.ge [sflag:s15], $0x8000  }
0x12d: {  	[sflag:s15] =	ssyncset.done $0x0  }
0x12e: {  	[sflag:s15] =	ssyncadd.s32 $0xFFFF8000  }
0x12f: {  	[hbm4b:s4+s2] =	stream.linear.scatter [tilespmem:s12], [sflag:$0x4], $0x8000, $0x38;
	[tilespmem:$0x18100] =	vst v63  }
0x130: {  	_ =	swait.ge [sflag:s14], $0x8000  }
0x131: {  	[sflag:s14] =	ssyncset.done $0x0  }
0x132: {  	[sflag:s14] =	ssyncadd.s32 $0xFFFF8000  }
0x133: {  	_ =	swait.ge [sflag:s13], $0x8000  }
0x134: {  	[sflag:s13] =	ssyncset.done $0x0  }
0x135: {  	[sflag:s13] =	ssyncadd.s32 $0xFFFF8000  }
0x136: {  	_ =	swait.ge [sflag:s3], $0x1000  }
0x137: {  	[sflag:s3] =	ssyncset.done $0x0  }
0x138: {  	[sflag:s3] =	ssyncadd.s32 $0xFFFFF000  }
0x139: {  	_ =	swait.ge [sflag:s3], $0x1000  }
0x13a: {  	[sflag:s3] =	ssyncset.done $0x0  }
0x13b: {  	[sflag:s3] =	ssyncadd.s32 $0xFFFFF000  }
0x13c: {  	_ =	swait.ge [sflag:s3], $0x1000  }
0x13d: {  	[sflag:s3] =	ssyncset.done $0x0  }
0x13e: {  	[sflag:s3] =	ssyncadd.s32 $0xFFFFF000  }
0x13f: {  	_ =	swait.ge [sflag:s3], $0x1000  }
0x140: {  	[sflag:s3] =	ssyncset.done $0x0  }
0x141: {  	[sflag:s3] =	ssyncadd.s32 $0xFFFFF000  }
0x142: {  	_ =	swait.ge [sflag:s3], $0x1000  }
0x143: {  	[sflag:s3] =	ssyncset.done $0x0  }
0x144: {  	[sflag:s3] =	ssyncadd.s32 $0xFFFFF000  }
0x145: {  	_ =	swait.ge [sflag:s3], $0x1000  }
0x146: {  	[sflag:s3] =	ssyncset.done $0x0  }
0x147: {  	[sflag:s3] =	ssyncadd.s32 $0xFFFFF000  }
0x148: {  	_ =	swait.ge [sflag:s3], $0x1000  }
0x149: {  	[sflag:s3] =	ssyncset.done $0x0  }
0x14a: {  	[sflag:s3] =	ssyncadd.s32 $0xFFFFF000  }
0x14b: {  	_ =	swait.ge [sflag:s3], $0x1000  }
0x14c: {  	[sflag:s3] =	ssyncset.done $0x0  }
0x14d: {  	[sflag:s3] =	ssyncadd.s32 $0xFFFFF000  }
0x14e: {  	_ =	swait.ge [sflag:s3], $0x1000  }
0x14f: {  	[sflag:s3] =	ssyncset.done $0x0  }
0x150: {  	[sflag:s3] =	ssyncadd.s32 $0xFFFFF000  }
0x151: {  	_ =	swait.ge [sflag:s3], $0x1000  }
0x152: {  	[sflag:s3] =	ssyncset.done $0x0  }
0x153: {  	[sflag:s3] =	ssyncadd.s32 $0xFFFFF000  }
0x154: {  	_ =	swait.ge [sflag:s3], $0x1000  }
0x155: {  	[sflag:s3] =	ssyncset.done $0x0  }
0x156: {  	[sflag:s3] =	ssyncadd.s32 $0xFFFFF000  }
0x157: {  	_ =	sfence.sel $0x180000  }
0x158: {  	[bflag:$0x0] =	sbarrier.arrive $0xFFFF  }
0x159: {  	_ =	strace $0x90000047  }
0x15a: {  	s31 =	stileid.u32;
	[bflag:$0x2] =	sbarrier.arrive $0xFFFF  }
0x15b: {  	p0 =	sne.s32 s31, $0x0;
	s0 =	rddreg [dreg:$0x3]  }
0x15c: {  	s0 =	sadd.s32 @!p0 $0x100000, s0  }
0x15d: {  	[sflag:s0] =	ssyncadd.tile.s32 @!p0 $0x1;
	_ =	shalt  }
.Lfunc_end2:
_tile_overlayer_lowered:
.L_overlay_start_2:
0x15e: {  	(tag) =	ssettag $0x2  }
0x15f: {  	s0 =	rddreg [dreg:$0x0];
	s2 =	stileid.u32  }
0x160: {  	s1 =	rddreg [dreg:$0x1];
	p0 =	sne.s32 s2, $0x0  }
0x161: {  	s3 =	rddreg [dreg:$0x2];
	[bflag:$0x3] =	sbarrier.arrive $0xFFFF;
	s2 =	simm.s32 @!p0 $0x1C06  }
0x162: {  	[timem:s3], [sflag:s2] =	dma.local @!p0 [hbm:s0], s1  }
0x163: {  	s0 =	simm.s32 @!p0 $0x6  }
0x164: {  	_ =	swait.ge @!p0 [sflag:s0], s1  }
0x165: {  	s1 =	ssub.s32 @!p0 $0x0, s1;
	[sflag:s0] =	ssyncset.done @!p0 $0x0  }
0x166: {  	[sflag:s0] =	ssyncadd.s32 @!p0 s1  }
0x167: {  	[bflag:$0x3] =	sbarrier.arrive $0xFFFF  }
0x168: {  	_ =	shalt  }

</sc_bundles>
